<compile_context>
chip_gen: v7x
topology: tpu7x:2x2x1
jax: 0.10.2.dev20260603
libtpu: 0.0.44.dev20260713+nightly
codegen_flags: <defaults>
</compile_context>

<pallas_src>
import functools

import jax
import jax.numpy as jnp
from jax import lax
from jax.experimental import pallas as pl
from jax.experimental.pallas import tpu as pltpu
from jax.experimental.pallas import tpu_sc as plsc

_NC = 1
_NS = 16
_NW = _NC * _NS
_N_ROWS = 4 * 8192
_ROWS_W = _N_ROWS // _NW
_CHUNKS = _ROWS_W // 16

_LN2 = 0.6931471805599453


def _vlog(x):
    bits = plsc.bitcast(x, jnp.int32)
    e = lax.shift_right_logical(bits, jnp.int32(23)) - jnp.int32(126)
    mbits = (bits & jnp.int32(0x007FFFFF)) | jnp.int32(0x3F000000)
    m = plsc.bitcast(mbits, jnp.float32)
    small = m < jnp.float32(0.70710678)
    m2 = jnp.where(small, m * jnp.float32(2.0), m)
    ef = e.astype(jnp.float32) - jnp.where(small, jnp.float32(1.0),
                                           jnp.float32(0.0))
    t = (m2 - jnp.float32(1.0)) / (m2 + jnp.float32(1.0))
    w = t * t
    r = t * (jnp.float32(2.0) + w * (jnp.float32(2.0 / 3.0)
             + w * (jnp.float32(2.0 / 5.0) + w * jnp.float32(2.0 / 7.0))))
    return ef * jnp.float32(_LN2) + r


def _mi_body(logits_hbm, masks_hbm, out_hbm, lv, mv, ov):
    wid = lax.axis_index("s") * _NC + lax.axis_index("c")
    pltpu.sync_copy(logits_hbm.at[pl.ds(wid * _ROWS_W * 3, _ROWS_W * 3)], lv)
    pltpu.sync_copy(masks_hbm.at[pl.ds(wid * _ROWS_W, _ROWS_W)], mv)

    def body(i, carry):
        acc_h, acc_p0, acc_p12, acc_c = carry
        base = i * jnp.int32(48)
        idx = lax.iota(jnp.int32, 16) * jnp.int32(3) + base
        a0 = plsc.load_gather(lv, [idx])
        a1 = plsc.load_gather(lv, [idx + jnp.int32(1)])
        a2 = plsc.load_gather(lv, [idx + jnp.int32(2)])
        mraw = mv[pl.ds(i * 16, 16)]
        mf = jnp.where(mraw != jnp.int32(0), jnp.float32(1.0),
                       jnp.float32(0.0))
        mx = jnp.maximum(a0, jnp.maximum(a1, a2))
        e0 = jnp.exp(a0 - mx)
        e1 = jnp.exp(a1 - mx)
        e2 = jnp.exp(a2 - mx)
        sinv = jnp.float32(1.0) / (e0 + e1 + e2)
        p0 = e0 * sinv
        p12 = (e1 + e2) * sinv
        h = -(p0 * _vlog(p0) + p12 * _vlog(p12))
        return (acc_h + h * mf, acc_p0 + p0 * mf,
                acc_p12 + p12 * mf, acc_c + mf)

    z = jnp.zeros((16,), jnp.float32)
    acc_h, acc_p0, acc_p12, acc_c = lax.fori_loop(
        0, _CHUNKS, body, (z, z, z, z))

    ov[0, :] = acc_h
    ov[1, :] = acc_p0
    ov[2, :] = acc_p12
    ov[3, :] = acc_c
    pltpu.sync_copy(ov, out_hbm.at[wid])


_mi_kernel = functools.partial(
    pl.kernel,
    mesh=plsc.VectorSubcoreMesh(core_axis_name="c", subcore_axis_name="s", num_cores=1),
    out_type=jax.ShapeDtypeStruct((_NW, 4, 16), jnp.float32),
    scratch_types=[
        pltpu.VMEM((_ROWS_W * 3,), jnp.float32),
        pltpu.VMEM((_ROWS_W,), jnp.int32),
        pltpu.VMEM((4, 16), jnp.float32),
    ],
    compiler_params=pltpu.CompilerParams(needs_layout_passes=False,
                                         skip_device_barrier=True),
)(_mi_body)


def kernel(logits, masks):
    lf = logits.reshape(-1)
    mf = masks.reshape(-1).astype(jnp.int32)
    part = _mi_kernel(lf, mf)
    sums = jnp.sum(part, axis=(0, 2))
    count = sums[3]
    condi = sums[0] / count
    y0 = sums[1] / count
    y1 = sums[2] / count
    y_entropy = -(y0 * jnp.log(y0) + y1 * jnp.log(y1))
    first = jnp.where(y_entropy < jnp.float32(0.5),
                      -y_entropy + condi, condi)
    return (first, y_entropy)

# --- scband reference (transcript-rebuilt; emitter-appended) ---
"""Pipeline reference for scband-mi-loss-6511170420773 (READ-ONLY COPY).

The authoritative reference and input builder live on the scoring server;
editing this copy changes nothing except your own understanding.
"""

import jax, jax.numpy as jnp
import numpy as np

MI_THRESHOLD = 0.5


def setup_inputs(seed: int = 0) -> dict:
    key = jax.random.key(seed)
    k1, k2 = jax.random.split(key)
    logits = jax.random.normal(k1, (4, 8192, 3), dtype=jnp.float32)
    masks = jax.random.randint(k2, (4, 8192), 0, 2).astype(jnp.int64)
    return {"logits": logits, "masks": masks}


def reference(logits, masks):
    n_labels = logits.shape[-1]
    flat = logits.reshape(-1, n_labels)
    p = jax.nn.softmax(flat, axis=-1)
    if p.shape[1] == 3:
        p = jnp.stack([p[:, 0], jnp.sum(p[:, 1:], axis=-1)]).T
    m = (masks.reshape(-1) != 0).astype(p.dtype)
    count = jnp.sum(m)
    row_entropy = -jnp.sum(p * jnp.log(p), axis=-1)
    condi_entropy = jnp.sum(row_entropy * m) / count
    y_dis = jnp.sum(p * m[:, None], axis=0) / count
    y_entropy = (-y_dis * jnp.log(y_dis)).sum()
    first = jnp.where(y_entropy < MI_THRESHOLD, -y_entropy + condi_entropy, condi_entropy)
    return (first, y_entropy)

if __name__ == "__main__":
    import jax
    _d = setup_inputs()
    print(jax.jit(kernel)(*tuple(_d.values())))

</pallas_src>

<mosaic_0001>
#map = affine_map<(d0, d1) -> (0)>
#map1 = affine_map<(d0, d1) -> (0, 0, 0)>
module attributes {stable_mosaic.version = 14 : i64} {
  func.func @_mi_body(%arg0: i32, %arg1: i32, %arg2: memref<98304xf32, #tpu.memory_space<hbm>>, %arg3: memref<32768xi32, #tpu.memory_space<hbm>>, %arg4: memref<16x4x16xf32, #tpu.memory_space<hbm>>, %arg5: memref<6144xf32, #tpu.memory_space<vmem>>, %arg6: memref<2048xi32, #tpu.memory_space<vmem>>, %arg7: memref<4x16xf32, #tpu.memory_space<vmem>>) attributes {dimension_semantics = [#tpu.dimension_semantics<core_parallel>, #tpu.dimension_semantics<subcore_parallel>], iteration_bounds = array<i64: 1, 16>, scalar_prefetch = 0 : i64, scratch_operands = 3 : i64, tpu.core_type = #tpu.core_type<sc_vector_subcore>, window_params = [{transform_indices = #map}, {transform_indices = #map}, {transform_indices = #map1}]} {
    %mul3A = arith.constant 1 : i32
    %mul3A_0 = arith.muli %arg1, %mul3A : i32
    %add3A = arith.addi %mul3A_0, %arg0 : i32
    %mul3A_1 = arith.constant 2048 : i32
    %mul3A_2 = arith.muli %add3A, %mul3A_1 : i32
    %mul3A_3 = arith.constant 3 : i32
    %mul3A_4 = arith.muli %mul3A_2, %mul3A_3 : i32
    "tpu.region"() ({
      %run_scoped3A = tpu.sem_alloc : memref<!tpu.dma_semaphore, #tpu.memory_space<semaphore_mem>>
      %dma_start3A = tpu.memref_slice %arg2[%mul3A_4] : memref<98304xf32, #tpu.memory_space<hbm>> -> memref<6144xf32, #tpu.memory_space<hbm>>
      %dma_start3A_28 = tpu.memref_slice %arg2[%mul3A_4] : memref<98304xf32, #tpu.memory_space<hbm>> -> memref<6144xf32, #tpu.memory_space<hbm>>
      tpu.enqueue_dma source(%dma_start3A_28 : memref<6144xf32, #tpu.memory_space<hbm>>) target(%arg5 : memref<6144xf32, #tpu.memory_space<vmem>>) target_semaphore(%run_scoped3A : memref<!tpu.dma_semaphore, #tpu.memory_space<semaphore_mem>>)
      %dma_wait3A = tpu.memref_slice %arg2[%mul3A_4] : memref<98304xf32, #tpu.memory_space<hbm>> -> memref<6144xf32, #tpu.memory_space<hbm>>
      %dma_wait3A_29 = tpu.memref_slice %arg2[%mul3A_4] : memref<98304xf32, #tpu.memory_space<hbm>> -> memref<6144xf32, #tpu.memory_space<hbm>>
      tpu.wait_dma2 semaphore(%run_scoped3A : memref<!tpu.dma_semaphore, #tpu.memory_space<semaphore_mem>>) src(%dma_wait3A_29 : memref<6144xf32, #tpu.memory_space<hbm>>) dst(%arg5 : memref<6144xf32, #tpu.memory_space<vmem>>)
      tpu.yield
    }) : () -> ()
    %mul3A_5 = arith.constant 2048 : i32
    %mul3A_6 = arith.muli %add3A, %mul3A_5 : i32
    "tpu.region"() ({
      %run_scoped3A = tpu.sem_alloc : memref<!tpu.dma_semaphore, #tpu.memory_space<semaphore_mem>>
      %dma_start3A = tpu.memref_slice %arg3[%mul3A_6] : memref<32768xi32, #tpu.memory_space<hbm>> -> memref<2048xi32, #tpu.memory_space<hbm>>
      %dma_start3A_28 = tpu.memref_slice %arg3[%mul3A_6] : memref<32768xi32, #tpu.memory_space<hbm>> -> memref<2048xi32, #tpu.memory_space<hbm>>
      tpu.enqueue_dma source(%dma_start3A_28 : memref<2048xi32, #tpu.memory_space<hbm>>) target(%arg6 : memref<2048xi32, #tpu.memory_space<vmem>>) target_semaphore(%run_scoped3A : memref<!tpu.dma_semaphore, #tpu.memory_space<semaphore_mem>>)
      %dma_wait3A = tpu.memref_slice %arg3[%mul3A_6] : memref<32768xi32, #tpu.memory_space<hbm>> -> memref<2048xi32, #tpu.memory_space<hbm>>
      %dma_wait3A_29 = tpu.memref_slice %arg3[%mul3A_6] : memref<32768xi32, #tpu.memory_space<hbm>> -> memref<2048xi32, #tpu.memory_space<hbm>>
      tpu.wait_dma2 semaphore(%run_scoped3A : memref<!tpu.dma_semaphore, #tpu.memory_space<semaphore_mem>>) src(%dma_wait3A_29 : memref<2048xi32, #tpu.memory_space<hbm>>) dst(%arg6 : memref<2048xi32, #tpu.memory_space<vmem>>)
      tpu.yield
    }) : () -> ()
    %broadcast_in_dim3A = arith.constant 0.000000e+00 : f32
    %broadcast_in_dim3A_7 = vector.broadcast %broadcast_in_dim3A : f32 to vector<16xf32>
    %scan3A = arith.constant 0 : i32
    %scan3A_8 = arith.constant 128 : i32
    %scan3A_9 = arith.addi %scan3A, %scan3A_8 : i32
    %scan3A_10 = arith.constant 1 : i32
    %scan3A_11:4 = scf.for %scan3A_28 = %scan3A to %scan3A_9 step %scan3A_10 iter_args(%scan3A_29 = %broadcast_in_dim3A_7, %scan3A_30 = %broadcast_in_dim3A_7, %scan3A_31 = %broadcast_in_dim3A_7, %scan3A_32 = %broadcast_in_dim3A_7) -> (vector<16xf32>, vector<16xf32>, vector<16xf32>, vector<16xf32>)  : i32 {
      %mul3A_33 = arith.constant 48 : i32
      %mul3A_34 = arith.muli %scan3A_28, %mul3A_33 : i32
      %iota3A = tpu.iota {dimensions = array<i32: 0>} : vector<16xi32>
      %mul3A_35 = arith.constant 3 : i32
      %mul3A_36 = vector.broadcast %mul3A_35 : i32 to vector<16xi32>
      %mul3A_37 = arith.muli %iota3A, %mul3A_36 : vector<16xi32>
      %add3A_38 = vector.broadcast %mul3A_34 : i32 to vector<16xi32>
      %add3A_39 = arith.addi %mul3A_37, %add3A_38 : vector<16xi32>
      %gather3A = tpu.vector_load_idx %arg5[%add3A_39] : memref<6144xf32, #tpu.memory_space<vmem>>[vector<16xi32>], vector<16xf32>,
      %add3A_40 = arith.constant 1 : i32
      %add3A_41 = vector.broadcast %add3A_40 : i32 to vector<16xi32>
      %add3A_42 = arith.addi %add3A_39, %add3A_41 : vector<16xi32>
      %gather3A_43 = tpu.vector_load_idx %arg5[%add3A_42] : memref<6144xf32, #tpu.memory_space<vmem>>[vector<16xi32>], vector<16xf32>,
      %add3A_44 = arith.constant 2 : i32
      %add3A_45 = vector.broadcast %add3A_44 : i32 to vector<16xi32>
      %add3A_46 = arith.addi %add3A_39, %add3A_45 : vector<16xi32>
      %gather3A_47 = tpu.vector_load_idx %arg5[%add3A_46] : memref<6144xf32, #tpu.memory_space<vmem>>[vector<16xi32>], vector<16xf32>,
      %mul3A_48 = arith.constant 16 : i32
      %mul3A_49 = arith.muli %scan3A_28, %mul3A_48 : i32
      %get3A = arith.index_cast %mul3A_49 : i32 to index
      %get3A_50 = tpu.vector_load %arg6[%get3A] {strides = array<i32>} : memref<2048xi32, #tpu.memory_space<vmem>>, vector<16xi32>,
      %ne3A = arith.constant 0 : i32
      %ne3A_51 = vector.broadcast %ne3A : i32 to vector<16xi32>
      %ne3A_52 = arith.cmpi ne, %get3A_50, %ne3A_51 : vector<16xi32>
      %jit3A = arith.constant 1.000000e+00 : f32
      %jit3A_53 = arith.constant 0.000000e+00 : f32
      %broadcast_in_dim3A_54 = vector.broadcast %jit3A : f32 to vector<16xf32>
      %broadcast_in_dim3A_55 = vector.broadcast %jit3A_53 : f32 to vector<16xf32>
      %select_n3A = arith.select %ne3A_52, %broadcast_in_dim3A_54, %broadcast_in_dim3A_55 : vector<16xi1>, vector<16xf32>
      %max3A = arith.maximumf %gather3A_43, %gather3A_47 : vector<16xf32>
      %max3A_56 = arith.maximumf %gather3A, %max3A : vector<16xf32>
      %sub3A = arith.subf %gather3A, %max3A_56 : vector<16xf32>
      %exp3A = math.exp %sub3A : vector<16xf32>
      %sub3A_57 = arith.subf %gather3A_43, %max3A_56 : vector<16xf32>
      %exp3A_58 = math.exp %sub3A_57 : vector<16xf32>
      %sub3A_59 = arith.subf %gather3A_47, %max3A_56 : vector<16xf32>
      %exp3A_60 = math.exp %sub3A_59 : vector<16xf32>
      %add3A_61 = arith.addf %exp3A, %exp3A_58 : vector<16xf32>
      %add3A_62 = arith.addf %add3A_61, %exp3A_60 : vector<16xf32>
      %div3A = arith.constant 1.000000e+00 : f32
      %div3A_63 = vector.broadcast %div3A : f32 to vector<16xf32>
      %div3A_64 = arith.divf %div3A_63, %add3A_62 : vector<16xf32>
      %mul3A_65 = arith.mulf %exp3A, %div3A_64 : vector<16xf32>
      %add3A_66 = arith.addf %exp3A_58, %exp3A_60 : vector<16xf32>
      %mul3A_67 = arith.mulf %add3A_66, %div3A_64 : vector<16xf32>
      %bitcast3A = vector.bitcast %mul3A_65 : vector<16xf32> to vector<16xi32>
      %shift_right_logical3A = arith.constant 23 : i32
      %shift_right_logical3A_68 = vector.broadcast %shift_right_logical3A : i32 to vector<16xi32>
      %shift_right_logical3A_69 = arith.shrui %bitcast3A, %shift_right_logical3A_68 : vector<16xi32>
      %sub3A_70 = arith.constant 126 : i32
      %sub3A_71 = vector.broadcast %sub3A_70 : i32 to vector<16xi32>
      %sub3A_72 = arith.subi %shift_right_logical3A_69, %sub3A_71 : vector<16xi32>
      %and3A = arith.constant 8388607 : i32
      %and3A_73 = vector.broadcast %and3A : i32 to vector<16xi32>
      %and3A_74 = arith.andi %bitcast3A, %and3A_73 : vector<16xi32>
      %or3A = arith.constant 1056964608 : i32
      %or3A_75 = vector.broadcast %or3A : i32 to vector<16xi32>
      %or3A_76 = arith.ori %and3A_74, %or3A_75 : vector<16xi32>
      %bitcast3A_77 = vector.bitcast %or3A_76 : vector<16xi32> to vector<16xf32>
      %lt3A = arith.constant 0.707106769 : f32
      %lt3A_78 = vector.broadcast %lt3A : f32 to vector<16xf32>
      %lt3A_79 = arith.cmpf olt, %bitcast3A_77, %lt3A_78 : vector<16xf32>
      %mul3A_80 = arith.constant 2.000000e+00 : f32
      %mul3A_81 = vector.broadcast %mul3A_80 : f32 to vector<16xf32>
      %mul3A_82 = arith.mulf %bitcast3A_77, %mul3A_81 : vector<16xf32>
      %select_n3A_83 = arith.select %lt3A_79, %mul3A_82, %bitcast3A_77 : vector<16xi1>, vector<16xf32>
      %convert_element_type3A = arith.sitofp %sub3A_72 : vector<16xi32> to vector<16xf32>
      %jit3A_84 = arith.constant 1.000000e+00 : f32
      %jit3A_85 = arith.constant 0.000000e+00 : f32
      %broadcast_in_dim3A_86 = vector.broadcast %jit3A_84 : f32 to vector<16xf32>
      %broadcast_in_dim3A_87 = vector.broadcast %jit3A_85 : f32 to vector<16xf32>
      %select_n3A_88 = arith.select %lt3A_79, %broadcast_in_dim3A_86, %broadcast_in_dim3A_87 : vector<16xi1>, vector<16xf32>
      %sub3A_89 = arith.subf %convert_element_type3A, %select_n3A_88 : vector<16xf32>
      %sub3A_90 = arith.constant 1.000000e+00 : f32
      %sub3A_91 = vector.broadcast %sub3A_90 : f32 to vector<16xf32>
      %sub3A_92 = arith.subf %select_n3A_83, %sub3A_91 : vector<16xf32>
      %add3A_93 = arith.constant 1.000000e+00 : f32
      %add3A_94 = vector.broadcast %add3A_93 : f32 to vector<16xf32>
      %add3A_95 = arith.addf %select_n3A_83, %add3A_94 : vector<16xf32>
      %div3A_96 = arith.divf %sub3A_92, %add3A_95 : vector<16xf32>
      %mul3A_97 = arith.mulf %div3A_96, %div3A_96 : vector<16xf32>
      %mul3A_98 = arith.constant 0.285714298 : f32
      %mul3A_99 = vector.broadcast %mul3A_98 : f32 to vector<16xf32>
      %mul3A_100 = arith.mulf %mul3A_97, %mul3A_99 : vector<16xf32>
      %add3A_101 = arith.constant 4.000000e-01 : f32
      %add3A_102 = vector.broadcast %add3A_101 : f32 to vector<16xf32>
      %add3A_103 = arith.addf %add3A_102, %mul3A_100 : vector<16xf32>
      %mul3A_104 = arith.mulf %mul3A_97, %add3A_103 : vector<16xf32>
      %add3A_105 = arith.constant 0.666666686 : f32
      %add3A_106 = vector.broadcast %add3A_105 : f32 to vector<16xf32>
      %add3A_107 = arith.addf %add3A_106, %mul3A_104 : vector<16xf32>
      %mul3A_108 = arith.mulf %mul3A_97, %add3A_107 : vector<16xf32>
      %add3A_109 = arith.constant 2.000000e+00 : f32
      %add3A_110 = vector.broadcast %add3A_109 : f32 to vector<16xf32>
      %add3A_111 = arith.addf %add3A_110, %mul3A_108 : vector<16xf32>
      %mul3A_112 = arith.mulf %div3A_96, %add3A_111 : vector<16xf32>
      %mul3A_113 = arith.constant 0.693147182 : f32
      %mul3A_114 = vector.broadcast %mul3A_113 : f32 to vector<16xf32>
      %mul3A_115 = arith.mulf %sub3A_89, %mul3A_114 : vector<16xf32>
      %add3A_116 = arith.addf %mul3A_115, %mul3A_112 : vector<16xf32>
      %mul3A_117 = arith.mulf %mul3A_65, %add3A_116 : vector<16xf32>
      %bitcast3A_118 = vector.bitcast %mul3A_67 : vector<16xf32> to vector<16xi32>
      %shift_right_logical3A_119 = arith.constant 23 : i32
      %shift_right_logical3A_120 = vector.broadcast %shift_right_logical3A_119 : i32 to vector<16xi32>
      %shift_right_logical3A_121 = arith.shrui %bitcast3A_118, %shift_right_logical3A_120 : vector<16xi32>
      %sub3A_122 = arith.constant 126 : i32
      %sub3A_123 = vector.broadcast %sub3A_122 : i32 to vector<16xi32>
      %sub3A_124 = arith.subi %shift_right_logical3A_121, %sub3A_123 : vector<16xi32>
      %and3A_125 = arith.constant 8388607 : i32
      %and3A_126 = vector.broadcast %and3A_125 : i32 to vector<16xi32>
      %and3A_127 = arith.andi %bitcast3A_118, %and3A_126 : vector<16xi32>
      %or3A_128 = arith.constant 1056964608 : i32
      %or3A_129 = vector.broadcast %or3A_128 : i32 to vector<16xi32>
      %or3A_130 = arith.ori %and3A_127, %or3A_129 : vector<16xi32>
      %bitcast3A_131 = vector.bitcast %or3A_130 : vector<16xi32> to vector<16xf32>
      %lt3A_132 = arith.constant 0.707106769 : f32
      %lt3A_133 = vector.broadcast %lt3A_132 : f32 to vector<16xf32>
      %lt3A_134 = arith.cmpf olt, %bitcast3A_131, %lt3A_133 : vector<16xf32>
      %mul3A_135 = arith.constant 2.000000e+00 : f32
      %mul3A_136 = vector.broadcast %mul3A_135 : f32 to vector<16xf32>
      %mul3A_137 = arith.mulf %bitcast3A_131, %mul3A_136 : vector<16xf32>
      %select_n3A_138 = arith.select %lt3A_134, %mul3A_137, %bitcast3A_131 : vector<16xi1>, vector<16xf32>
      %convert_element_type3A_139 = arith.sitofp %sub3A_124 : vector<16xi32> to vector<16xf32>
      %jit3A_140 = arith.constant 1.000000e+00 : f32
      %jit3A_141 = arith.constant 0.000000e+00 : f32
      %broadcast_in_dim3A_142 = vector.broadcast %jit3A_140 : f32 to vector<16xf32>
      %broadcast_in_dim3A_143 = vector.broadcast %jit3A_141 : f32 to vector<16xf32>
      %select_n3A_144 = arith.select %lt3A_134, %broadcast_in_dim3A_142, %broadcast_in_dim3A_143 : vector<16xi1>, vector<16xf32>
      %sub3A_145 = arith.subf %convert_element_type3A_139, %select_n3A_144 : vector<16xf32>
      %sub3A_146 = arith.constant 1.000000e+00 : f32
      %sub3A_147 = vector.broadcast %sub3A_146 : f32 to vector<16xf32>
      %sub3A_148 = arith.subf %select_n3A_138, %sub3A_147 : vector<16xf32>
      %add3A_149 = arith.constant 1.000000e+00 : f32
      %add3A_150 = vector.broadcast %add3A_149 : f32 to vector<16xf32>
      %add3A_151 = arith.addf %select_n3A_138, %add3A_150 : vector<16xf32>
      %div3A_152 = arith.divf %sub3A_148, %add3A_151 : vector<16xf32>
      %mul3A_153 = arith.mulf %div3A_152, %div3A_152 : vector<16xf32>
      %mul3A_154 = arith.constant 0.285714298 : f32
      %mul3A_155 = vector.broadcast %mul3A_154 : f32 to vector<16xf32>
      %mul3A_156 = arith.mulf %mul3A_153, %mul3A_155 : vector<16xf32>
      %add3A_157 = arith.constant 4.000000e-01 : f32
      %add3A_158 = vector.broadcast %add3A_157 : f32 to vector<16xf32>
      %add3A_159 = arith.addf %add3A_158, %mul3A_156 : vector<16xf32>
      %mul3A_160 = arith.mulf %mul3A_153, %add3A_159 : vector<16xf32>
      %add3A_161 = arith.constant 0.666666686 : f32
      %add3A_162 = vector.broadcast %add3A_161 : f32 to vector<16xf32>
      %add3A_163 = arith.addf %add3A_162, %mul3A_160 : vector<16xf32>
      %mul3A_164 = arith.mulf %mul3A_153, %add3A_163 : vector<16xf32>
      %add3A_165 = arith.constant 2.000000e+00 : f32
      %add3A_166 = vector.broadcast %add3A_165 : f32 to vector<16xf32>
      %add3A_167 = arith.addf %add3A_166, %mul3A_164 : vector<16xf32>
      %mul3A_168 = arith.mulf %div3A_152, %add3A_167 : vector<16xf32>
      %mul3A_169 = arith.constant 0.693147182 : f32
      %mul3A_170 = vector.broadcast %mul3A_169 : f32 to vector<16xf32>
      %mul3A_171 = arith.mulf %sub3A_145, %mul3A_170 : vector<16xf32>
      %add3A_172 = arith.addf %mul3A_171, %mul3A_168 : vector<16xf32>
      %mul3A_173 = arith.mulf %mul3A_67, %add3A_172 : vector<16xf32>
      %add3A_174 = arith.addf %mul3A_117, %mul3A_173 : vector<16xf32>
      %neg3A = arith.constant 0.000000e+00 : f32
      %neg3A_175 = vector.broadcast %neg3A : f32 to vector<16xf32>
      %neg3A_176 = arith.subf %neg3A_175, %add3A_174 : vector<16xf32>
      %mul3A_177 = arith.mulf %neg3A_176, %select_n3A : vector<16xf32>
      %add3A_178 = arith.addf %scan3A_29, %mul3A_177 : vector<16xf32>
      %mul3A_179 = arith.mulf %mul3A_65, %select_n3A : vector<16xf32>
      %add3A_180 = arith.addf %scan3A_30, %mul3A_179 : vector<16xf32>
      %mul3A_181 = arith.mulf %mul3A_67, %select_n3A : vector<16xf32>
      %add3A_182 = arith.addf %scan3A_31, %mul3A_181 : vector<16xf32>
      %add3A_183 = arith.addf %scan3A_32, %select_n3A : vector<16xf32>
      scf.yield %add3A_178, %add3A_180, %add3A_182, %add3A_183 : vector<16xf32>, vector<16xf32>, vector<16xf32>, vector<16xf32>
    }
    %scan3A_12 = arith.constant 128 : i32
    %swap3A = arith.constant 0 : i32
    %swap3A_13 = arith.index_cast %swap3A : i32 to index
    %swap3A_14 = arith.constant 0 : index
    %swap3A_15 = tpu.vector_load %arg7[%swap3A_13, %swap3A_14] {strides = array<i32>} : memref<4x16xf32, #tpu.memory_space<vmem>>, vector<16xf32>,
    tpu.vector_store %arg7[%swap3A_13, %swap3A_14], %scan3A_11#0 {strides = array<i32>} : memref<4x16xf32, #tpu.memory_space<vmem>>, vector<16xf32>,
    %swap3A_16 = arith.constant 1 : i32
    %swap3A_17 = arith.index_cast %swap3A_16 : i32 to index
    %swap3A_18 = arith.constant 0 : index
    %swap3A_19 = tpu.vector_load %arg7[%swap3A_17, %swap3A_18] {strides = array<i32>} : memref<4x16xf32, #tpu.memory_space<vmem>>, vector<16xf32>,
    tpu.vector_store %arg7[%swap3A_17, %swap3A_18], %scan3A_11#1 {strides = array<i32>} : memref<4x16xf32, #tpu.memory_space<vmem>>, vector<16xf32>,
    %swap3A_20 = arith.constant 2 : i32
    %swap3A_21 = arith.index_cast %swap3A_20 : i32 to index
    %swap3A_22 = arith.constant 0 : index
    %swap3A_23 = tpu.vector_load %arg7[%swap3A_21, %swap3A_22] {strides = array<i32>} : memref<4x16xf32, #tpu.memory_space<vmem>>, vector<16xf32>,
    tpu.vector_store %arg7[%swap3A_21, %swap3A_22], %scan3A_11#2 {strides = array<i32>} : memref<4x16xf32, #tpu.memory_space<vmem>>, vector<16xf32>,
    %swap3A_24 = arith.constant 3 : i32
    %swap3A_25 = arith.index_cast %swap3A_24 : i32 to index
    %swap3A_26 = arith.constant 0 : index
    %swap3A_27 = tpu.vector_load %arg7[%swap3A_25, %swap3A_26] {strides = array<i32>} : memref<4x16xf32, #tpu.memory_space<vmem>>, vector<16xf32>,
    tpu.vector_store %arg7[%swap3A_25, %swap3A_26], %scan3A_11#3 {strides = array<i32>} : memref<4x16xf32, #tpu.memory_space<vmem>>, vector<16xf32>,
    "tpu.region"() ({
      %run_scoped3A = tpu.sem_alloc : memref<!tpu.dma_semaphore, #tpu.memory_space<semaphore_mem>>
      %dma_start3A = arith.constant 0 : i32
      %dma_start3A_28 = arith.constant 0 : i32
      %dma_start3A_29 = tpu.memref_slice %arg4[%add3A, %dma_start3A, %dma_start3A_28] : memref<16x4x16xf32, #tpu.memory_space<hbm>> -> memref<1x4x16xf32, #tpu.memory_space<hbm>>
      %dma_start3A_30 = tpu.memref_squeeze %dma_start3A_29 : memref<1x4x16xf32, #tpu.memory_space<hbm>> -> memref<4x16xf32, #tpu.memory_space<hbm>>
      %dma_start3A_31 = arith.constant 0 : i32
      %dma_start3A_32 = arith.constant 0 : i32
      %dma_start3A_33 = tpu.memref_slice %arg4[%add3A, %dma_start3A_31, %dma_start3A_32] : memref<16x4x16xf32, #tpu.memory_space<hbm>> -> memref<1x4x16xf32, #tpu.memory_space<hbm>>
      %dma_start3A_34 = tpu.memref_squeeze %dma_start3A_33 : memref<1x4x16xf32, #tpu.memory_space<hbm>> -> memref<4x16xf32, #tpu.memory_space<hbm>>
      tpu.enqueue_dma source(%arg7 : memref<4x16xf32, #tpu.memory_space<vmem>>) target(%dma_start3A_34 : memref<4x16xf32, #tpu.memory_space<hbm>>) target_semaphore(%run_scoped3A : memref<!tpu.dma_semaphore, #tpu.memory_space<semaphore_mem>>)
      %dma_wait3A = arith.constant 0 : i32
      %dma_wait3A_35 = arith.constant 0 : i32
      %dma_wait3A_36 = tpu.memref_slice %arg4[%add3A, %dma_wait3A, %dma_wait3A_35] : memref<16x4x16xf32, #tpu.memory_space<hbm>> -> memref<1x4x16xf32, #tpu.memory_space<hbm>>
      %dma_wait3A_37 = tpu.memref_squeeze %dma_wait3A_36 : memref<1x4x16xf32, #tpu.memory_space<hbm>> -> memref<4x16xf32, #tpu.memory_space<hbm>>
      %dma_wait3A_38 = arith.constant 0 : i32
      %dma_wait3A_39 = arith.constant 0 : i32
      %dma_wait3A_40 = tpu.memref_slice %arg4[%add3A, %dma_wait3A_38, %dma_wait3A_39] : memref<16x4x16xf32, #tpu.memory_space<hbm>> -> memref<1x4x16xf32, #tpu.memory_space<hbm>>
      %dma_wait3A_41 = tpu.memref_squeeze %dma_wait3A_40 : memref<1x4x16xf32, #tpu.memory_space<hbm>> -> memref<4x16xf32, #tpu.memory_space<hbm>>
      tpu.wait_dma2 semaphore(%run_scoped3A : memref<!tpu.dma_semaphore, #tpu.memory_space<semaphore_mem>>) src(%arg7 : memref<4x16xf32, #tpu.memory_space<vmem>>) dst(%dma_wait3A_41 : memref<4x16xf32, #tpu.memory_space<hbm>>)
      tpu.yield
    }) : () -> ()
    return
  }
}

</mosaic_0001>

<sc_bundles>
// kernel: kernel.3.cloned.1.call-start
scs
__scs_entry_jumppad:
0x0: {  	(pc) =	sbr.rel $0x88, $3  }
0x1: {  	(tag) =	ssettag $0x0;
	lr =	simm.s32 $0x1  }
0x2: {  	[smem:$0x3F9F] =	sst lr;
	_ =	strace $0xD0000000  }
0x3: {  	_ = 	snop  }
0x4: {  	_ = 	snop  }
0x5: {  	_ = 	snop  }
0x6: {  	_ = 	snop  }
0x7: {  	_ = 	snop  }
__scs_overlays_trampoline_lowered:
0x8: {  	[smem:$0x3FAE] =	sst s0  }
0x9: {  	[smem:$0x3FAF] =	sst s1  }
0xa: {  	[smem:$0x3FB0] =	sst s2  }
0xb: {  	[smem:$0x3FB1] =	sst s3  }
0xc: {  	[smem:$0x3FB2] =	sst s4  }
0xd: {  	[smem:$0x3FB3] =	sst s5  }
0xe: {  	[smem:$0x3FB4] =	sst s6  }
0xf: {  	[smem:$0x3FB5] =	sst s7  }
0x10: {  	[smem:$0x3FB6] =	sst s8  }
0x11: {  	[smem:$0x3FB7] =	sst s9;
	s0 =	simm.s32 @!p0 $0x0  }
0x12: {  	s1 =	sld [smem:$0x3F9D];
	s0 =	simm.s32 @p0 $0x1  }
0x13: {  	[smem:$0x3FB8] =	sst s0;
	s0 =	simm.s32 @!p1 $0x0  }
0x14: {  	s2 =	sld [smem:$0x3F9C];
	s0 =	simm.s32 @p1 $0x1  }
0x15: {  	[smem:$0x3FB9] =	sst s0;
	s0 =	simm.s32 @!p2 $0x0  }
0x16: {  	s3 =	sld [smem:$0x3FDB];
	s0 =	simm.s32 @p2 $0x1  }
0x17: {  	s4 =	simm.s32 $0x1BF5;
	[smem:$0x3FBB] =	sst s0  }
0x18: {  	s0 =	sld [smem:$0x3F9E];
	_ =	swait.ge [sflag:s4], $0x0  }
0x19: {  	s7 =	sld [smem:$0x3F9F]  }
0x1a: {  	s8 =	sadd.s32 $0xFFFFE003, lr  }
0x1b: {  	s9 =	sadd.s32 $0xFFFFFEF7, lr;
	s5 =	simm.s32 $0xFFFFFFFF;
	p2 =	slt.u32 s8, $0xFFFFF086  }
0x1c: {  	p1 =	slt.u32 s9, $0xF7A;
	s5 =	simm.s32 @!p2 $0x0  }
0x1d: {  	s5 =	simm.s32 @p1 $0x1;
	p0 =	seq.s32 s7, s2  }
0x1e: {  	s7 =	smul.u32 @!p0 $0xF7A, s2;
	p2 =	seq.s32 @!p0 s5, $0x0  }
0x1f: {  	s9 =	smul.u32 $0xF7A, s1;
	s8 =	simm.s32 @!p0 $0x1BF5;
	p2 =	por !p2, p0  }
0x20: {  	[sflag:s8] =	ssyncset.s32 @!p0 $0xFFFFF086;
	s6 =	sadd.s32 @!p0 s3, s7;
	s7 =	simm.s32 @!p0 $0x108  }
0x21: {  	s3 =	sadd.s32 s3, s9;
	s6 =	sadd.s32 @!p0 $0x88, s6;
	s7 =	simm.s32 @p2 $0x1082  }
0x22: {  	[simem:s7], [sflag:s8] =	dma.local @!p0 [hbm:s6], $0xF7A  }
0x23: {  	s9 =	sor.u32 $0xD0000000, s2;
	s6 =	simm.s32 $0x108;
	_ =	swait.ge @!p0 [sflag:s8], $0x0  }
0x24: {  	s3 =	sadd.s32 $0x88, s3;
	s6 =	simm.s32 @!p1 $0x1082;
	[sflag:s4] =	ssyncset.s32 $0xFFFFF086  }
0x25: {  	[simem:s6], [sflag:s4] =	dma.local [hbm:s3], $0xF7A  }
0x26: {  	[smem:$0x3F9F] =	sst s1;
	(tag) =	ssettag s2;
	_ =	strace s9  }
0x27: {  	s1 =	sld [smem:$0x3FAF]  }
0x28: {  	s2 =	sld [smem:$0x3FB0]  }
0x29: {  	s4 =	sld [smem:$0x3FB2]  }
0x2a: {  	p0 =	seq.s32 s5, $0x0;
	s5 =	sld [smem:$0x3FB3]  }
0x2b: {  	s6 =	sld [smem:$0x3FB4]  }
0x2c: {  	s7 =	sld [smem:$0x3FB5]  }
0x2d: {  	s3 =	simm.s32 $0x108;
	s8 =	sld [smem:$0x3FB6]  }
0x2e: {  	s3 =	simm.s32 @!p0 $0x1082;
	s9 =	sld [smem:$0x3FB7]  }
0x2f: {  	lr =	sadd.s32 s0, s3;
	s0 =	sld [smem:$0x3FAE]  }
0x30: {  	s3 =	sld [smem:$0x3FB1]  }
0x31: {  	[smem:$0x3FBA] =	sst s10  }
0x32: {  	s10 =	sld [smem:$0x3FB8];
	_ =	sdelay $0x3  }
0x33: {  	p0 =	seq.s32 s10, $0x1;
	s10 =	sld [smem:$0x3FBA];
	_ =	sdelay $0x3  }
0x34: {  	[smem:$0x3FBA] =	sst s10  }
0x35: {  	s10 =	sld [smem:$0x3FB9];
	_ =	sdelay $0x3  }
0x36: {  	p1 =	seq.s32 s10, $0x1;
	s10 =	sld [smem:$0x3FBA];
	_ =	sdelay $0x3  }
0x37: {  	[smem:$0x3FBA] =	sst s10  }
0x38: {  	s10 =	sld [smem:$0x3FBB]  }
0x39: {  	_ = 	snop;
	(pc) =	sbr.ind lr, $3  }
0x3a: {  	_ = 	snop  }
0x3b: {  	_ = 	snop  }
0x3c: {  	p2 =	seq.s32 s10, $0x1;
	s10 =	sld [smem:$0x3FBA]  }
0x3d: {  	_ =	shalt  }
0x3e: {  	_ =	shalt  }
0x3f: {  	_ =	shalt  }
0x40: {  	_ =	shalt  }
0x41: {  	_ =	shalt  }
0x42: {  	_ =	shalt  }
0x43: {  	_ =	shalt  }
0x44: {  	_ =	shalt  }
0x45: {  	_ =	shalt  }
0x46: {  	_ =	shalt  }
0x47: {  	_ =	shalt  }
0x48: {  	_ =	shalt  }
0x49: {  	_ =	shalt  }
0x4a: {  	_ =	shalt  }
0x4b: {  	_ =	shalt  }
0x4c: {  	_ =	shalt  }
0x4d: {  	_ =	shalt  }
0x4e: {  	_ =	shalt  }
0x4f: {  	_ =	shalt  }
0x50: {  	_ =	shalt  }
0x51: {  	_ =	shalt  }
0x52: {  	_ =	shalt  }
0x53: {  	_ =	shalt  }
0x54: {  	_ =	shalt  }
0x55: {  	_ =	shalt  }
0x56: {  	_ =	shalt  }
0x57: {  	_ =	shalt  }
0x58: {  	_ =	shalt  }
0x59: {  	_ =	shalt  }
0x5a: {  	_ =	shalt  }
0x5b: {  	_ =	shalt  }
0x5c: {  	_ =	shalt  }
0x5d: {  	_ =	shalt  }
0x5e: {  	_ =	shalt  }
0x5f: {  	_ =	shalt  }
0x60: {  	_ =	shalt  }
0x61: {  	_ =	shalt  }
0x62: {  	_ =	shalt  }
0x63: {  	_ =	shalt  }
0x64: {  	_ =	shalt  }
0x65: {  	_ =	shalt  }
0x66: {  	_ =	shalt  }
0x67: {  	_ =	shalt  }
0x68: {  	_ =	shalt  }
0x69: {  	_ =	shalt  }
0x6a: {  	_ =	shalt  }
0x6b: {  	_ =	shalt  }
0x6c: {  	_ =	shalt  }
0x6d: {  	_ =	shalt  }
0x6e: {  	_ =	shalt  }
0x6f: {  	_ =	shalt  }
0x70: {  	_ =	shalt  }
0x71: {  	_ =	shalt  }
0x72: {  	_ =	shalt  }
0x73: {  	_ =	shalt  }
0x74: {  	_ =	shalt  }
0x75: {  	_ =	shalt  }
0x76: {  	_ =	shalt  }
0x77: {  	_ =	shalt  }
0x78: {  	_ =	shalt  }
0x79: {  	_ =	shalt  }
0x7a: {  	_ =	shalt  }
0x7b: {  	_ =	shalt  }
0x7c: {  	_ =	shalt  }
0x7d: {  	_ =	shalt  }
0x7e: {  	_ =	shalt  }
0x7f: {  	_ =	shalt  }
0x80: {  	_ =	shalt  }
0x81: {  	_ =	shalt  }
0x82: {  	_ =	shalt  }
0x83: {  	_ =	shalt  }
0x84: {  	_ =	shalt  }
0x85: {  	_ =	shalt  }
0x86: {  	_ =	shalt  }
0x87: {  	_ =	shalt  }
.Lfunc_end0:
.L_simem_size_0:
called_computation_lowered:
.L_overlay_start_0:
0x88: {  	s0 =	sld [smem:$0x3FD9]  }
0x89: {  	s1 =	sld [smem:$0x3FFE];
	_ =	sdelay $0x3  }
0x8a: {  	s0 =	sadd.s32 s1, s0  }
0x8b: {  	[smem:$0x3FC6] =	sst s0  }
0x8c: {  	_ = 	snop  }
0x8d: {  	(tm) =	ssettm $0x1  }
0x8e: {  	s15 =	sld [smem:$0x3FFB];
	_ =	sdelay $0x3  }
0x8f: {  	_ =	strace s15  }
0x90: {  	s0 =	sld [smem:$0x3FFC];
	_ =	sdelay $0x3  }
0x91: {  	_ =	strace s0  }
0x92: {  	s0 =	sld [smem:$0x3FFD];
	_ =	sdelay $0x3  }
0x93: {  	_ =	strace s0  }
0x94: {  	_ =	strace $0x8FFFFFFF  }
0x95: {  	s16 =	sld [smem:$0x3FDB];
	_ =	sdelay $0x1  }
0x96: {  	s17 =	simm.s32 $_scs_section_size  }
0x97: {  	s2 =	simm.s32 $_size__tile_overlayer_lowered;
	s3 =	simm.s32 $_tile_overlayer_lowered  }
0x98: {  	s20 =	simm.s32 $0x1BFF;
	s19 =	sshll.u32 s3, $0x1;
	s0 =	sadd.s32 s17, s16  }
0x99: {  	s4 =	simm.s32 $0x0;
	s18 =	sshll.u32 s2, $0x1;
	s2 =	sadd.s32 s19, s0  }
0x9a: {  	[timem:s4], [sflag:s20] =	dma.local [hbm:s2], s18  }
0x9b: {  	_ =	swait.ge [sflag:s20], s18  }
0x9c: {  	s1 =	ssub.s32 $0x0, s18;
	[sflag:s20] =	ssyncset.done $0x0  }
0x9d: {  	[sflag:s20] =	ssyncadd.s32 s1;
	_ =	sdelay $0x1  }
0x9e: {  	s21 =	simm.s32 $0x1B8B  }
0x9f: {  	_ =	swait.ge [sflag:s21], $0x1  }
0xa0: {  	[sflag:s21] =	ssyncset.done $0x0  }
0xa1: {  	s23 =	simm.s32 $0x1B8E;
	s22 =	sld [smem:$0x3FFE];
	[sflag:s21] =	ssyncadd.s32 $0xFFFFFFFF  }
0xa2: {  	s24 =	simm.s32 $execute0_lowered;
	[smem:$0x3FD2] =	sst s23  }
0xa3: {  	s2 =	sshll.u32 s24, $0x1;
	_ =	strace $0x80000046;
	[dreg:$0x1] =	wrdreg $0xFFFFFFFF  }
0xa4: {  	s25 =	simm.s32 $_size_execute0_lowered;
	s0 =	sadd.s32 s0, s2;
	[dreg:$0x0] =	wrdreg $0x0  }
0xa5: {  	s2 =	sshll.u32 s25, $0x1;
	[dreg:$0x2] =	wrdreg s0  }
0xa6: {  	[dreg:$0x3] =	wrdreg s2  }
0xa7: {  	[dreg:$0x4] =	wrdreg $0xC0  }
0xa8: {  	_ =	task [dreg:s4], $0x5FFFF  }
0xa9: {  	[dreg:$0x1] =	wrdreg $0xFFFFFFFF  }
0xaa: {  	[dreg:$0x0] =	wrdreg $0x60  }
0xab: {  	[dreg:$0x2] =	wrdreg s22  }
0xac: {  	[dreg:$0x3] =	wrdreg $0x9  }
0xad: {  	_ =	task.clear_ibuf [dreg:s4], $0x4FFFF;
	_ =	strace $0x90000046  }
0xae: {  	s26 =	simm.s32 $0x9;
	_ =	strace $0x80000048  }
0xaf: {  	_ =	swait.ge [sflag:s26], $0x1  }
0xb0: {  	[sflag:s26] =	ssyncadd.s32 $0xFFFFFFFF  }
0xb1: {  	_ =	strace $0x90000048  }
0xb2: {  	_ =	sfence  }
0xb3: {  	s28 =	sld [smem:$0x0];
	_ =	sdelay $0x1  }
0xb4: {  	s29 =	srdreg.scid  }
0xb5: {  	s30 =	sshll.u32 s29, $0xD;
	s31 =	sshrl.u32 s29, $0x2  }
0xb6: {  	s1 =	sand.u32 $0x1, s29;
	s2 =	sand.u32 $0x4000, s30;
	s0 =	sadd.s32 s31, s28  }
0xb7: {  	s1 =	sor.u32 s2, s1;
	s0 =	sshll.u32 s0, $0x11  }
0xb8: {  	s0 =	sor.u32 s0, s1  }
0xb9: {  	s0 =	sadd.s32 $0x8F2B, s0  }
0xba: {  	[sflag:s0] =	ssyncadd.remote.s32 $0x1  }
0xbb: {  	_ =	sfence.sel $0xFFFF  }
0xbc: {  	[dreg:$0x0] =	wrdreg $0xFFFFFFFF;
	(pc) =	sbr.abs _section_cstart, $3  }
0xbd: {  	[dreg:$0x1] =	wrdreg $0xFFFFFFFF  }
0xbe: {  	_ =	task.clear_ibuf [dreg:s4], $0x2FFFF;
	_ =	strace $0x9FFFFFFF  }
0xbf: {  	(tm) =	ssettm $0x7FFFFFFF  }
tec
execute0_lowered:
.L_overlay_start_1:
0x0: {  	(tag) =	ssettag $0x1  }
0x1: {  	s0 =	stileid.u32  }
0x2: {  	s2 =	rddreg [dreg:$0x0];
	s4 =	smul.u32 $0x300, s0  }
0x3: {  	s1 =	rddreg [dreg:$0x1];
	s3 =	simm.s32 $0x0  }
0x4: {  	[smem:$0x7FF] =	sst s3;
	s4 =	sadd.s32 s4, s2  }
0x5: {  	v0 =	vlaneseq.u32;
	s25 =	simm.s32 $0x1;
	_ =	strace $0x80000047;
	s4 =	sadd.s32 $0x400, s4  }
0x6: {  	v9 =	vmul.u32 $0x3, v0;
	[tilespmem:s3], [sflag:$0x1] =	stream.linear.gather [hbm4b:s4+s3], $0x1800, $0x38;
	[tilespmem:$0x2200] =	vst v63  }
0x7: {  	s5 =	sshll.u32 s0, $0x8;
	_ =	swait.ge [sflag:s25], $0x1800  }
0x8: {  	s5 =	sadd.s32 s5, s2;
	v10 =	vadd.s32 $0x1, v9;
	[sflag:s25] =	ssyncset.done $0x0  }
0x9: {  	s6 =	simm.s32 $0x1800;
	s5 =	sadd.s32 $0x3400, s5;
	v12 =	vadd.s32 $0x2, v9;
	v0 =	vadd.s32 s3, v10;
	[sflag:s25] =	ssyncadd.s32 $0xFFFFE800  }
0xa: {  	v1 =	vadd.s32 s3, v12;
	[tilespmem:s6], [sflag:$0x1] =	stream.linear.gather [hbm4b:s5+s3], $0x800, $0x38;
	[tilespmem:$0x2200] =	vst v63  }
0xb: {  	v2 =	vadd.s32 s3, v9;
	_ =	swait.ge [sflag:s25], $0x800  }
0xc: {  	[sflag:s25] =	ssyncset.done $0x0  }
0xd: {  	[sflag:s25] =	ssyncadd.s32 $0xFFFFF800  }
0xe: {  	v0 =	vld.idx.msk [tilespmem:v0+s3+$0x0], $0xffff  }
0xf: {  	v1 =	vld.idx.msk [tilespmem:v1+s3+$0x0], $0xffff  }
0x10: {  	v2 =	vld.idx.msk [tilespmem:v2+s3+$0x0], $0xffff;
	_ =	sdelay $0x3  }
0x11: {  	v3 =	vmax.f32 v0, v1  }
0x12: {  	v3 =	vmax.f32 v2, v3  }
0x13: {  	v2 =	vsub.f32 v2, v3  }
0x14: {  	v1 =	vsub.f32 v1, v3  }
0x15: {  	v0 =	vsub.f32 v0, v3;
	v2 =	vmul.f32 $1.442695020e+00, v2  }
0x16: {  	v1 =	vmul.f32 $1.442695020e+00, v1  }
0x17: {  	v0 =	vmul.f32 $1.442695020e+00, v0;
	(erf) = vpow2.f32 v2  }
0x18: {  	(erf) = vpow2.f32 v1  }
0x19: {  	(erf) = vpow2.f32 v0;
	_ =	sdelay $0x4  }
0x1a: {  	s26 =	simm.s32 $0x30  }
0x1b: {  	v1 =	vadd.s32 s26, v12  }
0x1c: {  	v0 =	vadd.s32 s26, v10;
	v3 =	vpop (erf)  }
0x1d: {  	v2 =	vadd.s32 s26, v9;
	v4 =	vpop (erf)  }
0x1e: {  	v5 =	vpop (erf)  }
0x1f: {  	v6 =	vadd.f32 v5, v3  }
0x20: {  	v1 =	vld.idx.msk [tilespmem:v1+s3+$0x0], $0xffff  }
0x21: {  	v0 =	vld.idx.msk [tilespmem:v0+s3+$0x0], $0xffff;
	v6 =	vadd.f32 v6, v4  }
0x22: {  	v2 =	vld.idx.msk [tilespmem:v2+s3+$0x0], $0xffff  }
0x23: {  	(erf) = vrcp.f32 v6;
	_ =	sdelay $0x2  }
0x24: {  	v6 =	vmax.f32 v0, v1  }
0x25: {  	v6 =	vmax.f32 v2, v6  }
0x26: {  	v2 =	vsub.f32 v2, v6  }
0x27: {  	v1 =	vsub.f32 v1, v6  }
0x28: {  	v0 =	vsub.f32 v0, v6;
	v2 =	vmul.f32 $1.442695020e+00, v2  }
0x29: {  	v1 =	vmul.f32 $1.442695020e+00, v1  }
0x2a: {  	v0 =	vmul.f32 $1.442695020e+00, v0;
	(erf) = vpow2.f32 v2;
	v2 =	vadd.f32 v4, v5;
	v4 =	vpop (erf)  }
0x2b: {  	(erf) = vpow2.f32 v1;
	v6 =	vmul.f32 v4, v3  }
0x2c: {  	(erf) = vpow2.f32 v0;
	v8 =	vmul.f32 v4, v2  }
0x2d: {  	v0 =	vand.u32 $0x7FFFFF, v6  }
0x2e: {  	v1 =	vand.u32 $0x7FFFFF, v8;
	v0 =	vor.u32 $0x3F000000, v0  }
0x2f: {  	v2 =	vld [tilespmem:s6+$0x0];
	v1 =	vor.u32 $0x3F000000, v1;
	v3 =	vadd.f32 v0, v0  }
0x30: {  	vm0 =	vlt.f32 v0, $7.071067690e-01;
	v4 =	vadd.f32 v1, v1  }
0x31: {  	s28 =	simm.s32 $0x1810;
	vm1 =	vlt.f32 v1, $7.071067690e-01;
	v3 =	vsel vm0, v3, v0  }
0x32: {  	v5 =	vld [tilespmem:s28+$0x0];
	v4 =	vsel vm1, v4, v1;
	v0 =	vadd.f32 $1.000000000e+00, v3  }
0x33: {  	s29 =	simm.s32 $0x60;
	v7 =	vpop (erf);
	v1 =	vadd.f32 $1.000000000e+00, v4  }
0x34: {  	vm2 =	veq.s32 v2, $0x0;
	v2 =	vadd.s32 s29, v12;
	v13 =	vpop (erf);
	(erf) = vrcp.f32 v0  }
0x35: {  	s30 =	simm.s32 $0x1820;
	s31 =	simm.s32 $0x90;
	v16 =	vadd.s32 s29, v9;
	v11 =	vadd.s32 s29, v10;
	v14 =	vpop (erf);
	(erf) = vrcp.f32 v1  }
0x36: {  	v31 =	vadd.s32 s31, v10;
	v32 =	vadd.s32 s31, v12;
	v15 =	vld [tilespmem:s30+$0x0];
	v1 =	vadd.f32 v14, v7  }
0x37: {  	s4 =	simm.s32 $0x1830;
	vm3 =	veq.s32 v5, $0x0;
	v5 =	vimm.f32 $0.0e+00;
	vm2 =	vmmov vm2  }
0x38: {  	v22 =	vld [tilespmem:s4+$0x0];
	v18 =	vshrl.u32 v8, $0x17;
	vm2 =	vmmov vm2;
	v17 =	vadd.f32 v1, v13  }
0x39: {  	v3 =	vadd.f32 $-1.000000000e+00, v3;
	v0 =	vimm.f32 $1.000000000e+00;
	v21 =	vld.idx.msk [tilespmem:v2+s3+$0x0], $0xffff;
	v2 =	vadd.s32 $0xFFFFFF82, v18  }
0x3a: {  	v11 =	vld.idx.msk [tilespmem:v11+s3+$0x0], $0xffff;
	v13 =	vadd.f32 v13, v14;
	v14 =	vsel vm1, $0x3F800000, v5;
	(erf) = vrcp.f32 v17  }
0x3b: {  	vm4 =	veq.s32 v15, $0x0;
	v15 =	vld.idx.msk [tilespmem:v16+s3+$0x0], $0xffff;
	v16 =	vcvt.s32.f32 v2;
	v1 =	vsel vm2, $0x0, v0  }
0x3c: {  	vm3 =	vmmov vm3;
	v4 =	vadd.f32 $-1.000000000e+00, v4;
	v19 =	vmul.f32 v8, v1  }
0x3d: {  	vm2 =	vmmov vm3;
	vm1 =	veq.s32 v22, $0x0;
	v16 =	vsub.f32 v16, v14;
	v14 =	vpop (erf)  }
0x3e: {  	v2 =	vmul.f32 v6, v1;
	v25 =	vadd.f32 v19, v5;
	v18 =	vmul.f32 v14, v3;
	v3 =	vpop (erf)  }
0x3f: {  	v19 =	vshrl.u32 v6, $0x17;
	v14 =	vmax.f32 v11, v21;
	v20 =	vmul.f32 v3, v4  }
0x40: {  	v3 =	vmax.f32 v15, v14;
	v4 =	vadd.s32 $0xFFFFFF82, v19;
	v29 =	vmul.f32 v18, v18  }
0x41: {  	v14 =	vsub.f32 v15, v3;
	v19 =	vcvt.s32.f32 v4;
	v4 =	vsub.f32 v21, v3  }
0x42: {  	v11 =	vsub.f32 v11, v3;
	v28 =	vmul.f32 v20, v20;
	v21 =	vmul.f32 $2.857142980e-01, v29  }
0x43: {  	v17 =	vsel vm0, $0x3F800000, v5;
	v15 =	vmul.f32 $1.442695020e+00, v14;
	v23 =	vpop (erf);
	v4 =	vmul.f32 $1.442695020e+00, v4  }
0x44: {  	vm0 =	vmmov vm4;
	v14 =	vmul.f32 v23, v7;
	v7 =	vmul.f32 $1.442695020e+00, v11  }
0x45: {  	v3 =	vadd.f32 v1, v5;
	(erf) = vpow2.f32 v15;
	v15 =	vmul.f32 v23, v13  }
0x46: {  	v13 =	vmul.f32 $2.857142980e-01, v28;
	(erf) = vpow2.f32 v4;
	v4 =	vand.u32 $0x7FFFFF, v14  }
0x47: {  	v11 =	vadd.f32 $4.000000060e-01, v21;
	(erf) = vpow2.f32 v7;
	v7 =	vor.u32 $0x3F000000, v4  }
0x48: {  	v22 =	vand.u32 $0x7FFFFF, v15;
	v4 =	vsel vm2, $0x0, v0;
	v13 =	vadd.f32 $4.000000060e-01, v13  }
0x49: {  	v27 =	vshrl.u32 v15, $0x17;
	v11 =	vmul.f32 v11, v29;
	v21 =	vadd.f32 v7, v7  }
0x4a: {  	vm2 =	vlt.f32 v7, $7.071067690e-01;
	v23 =	vor.u32 $0x3F000000, v22;
	v30 =	vmul.f32 v15, v4  }
0x4b: {  	v13 =	vmul.f32 v13, v28;
	v22 =	vsel vm2, v21, v7;
	v7 =	vadd.f32 v23, v23  }
0x4c: {  	vm3 =	vlt.f32 v23, $7.071067690e-01;
	v11 =	vadd.f32 $6.666666860e-01, v11;
	v21 =	vadd.s32 s31, v9  }
0x4d: {  	v26 =	vadd.f32 $1.000000000e+00, v22;
	v13 =	vadd.f32 $6.666666860e-01, v13;
	v7 =	vsel vm3, v7, v23  }
0x4e: {  	v29 =	vmul.f32 v11, v29;
	v11 =	vimm.f32 $0.0e+00;
	v33 =	vadd.f32 $1.000000000e+00, v7;
	v23 =	vpop (erf)  }
0x4f: {  	v24 =	vadd.f32 $-1.000000000e+00, v7;
	v7 =	vadd.f32 v30, v25;
	v34 =	vpop (erf);
	(erf) = vrcp.f32 v26  }
0x50: {  	v13 =	vmul.f32 v13, v28;
	v26 =	vadd.s32 $0xFFFFFF82, v27;
	(erf) = vrcp.f32 v33;
	v27 =	vpop (erf)  }
0x51: {  	v28 =	vsel vm3, $0x3F800000, v5;
	v30 =	vld.idx.msk [tilespmem:v21+s3+$0x0], $0xffff;
	v21 =	vmul.f32 v14, v4;
	v25 =	vadd.f32 v27, v23  }
0x52: {  	v31 =	vld.idx.msk [tilespmem:v31+s3+$0x0], $0xffff;
	v26 =	vcvt.s32.f32 v26;
	v33 =	vadd.f32 $2.000000000e+00, v13;
	v13 =	vimm.f32 $0.0e+00  }
0x53: {  	s2 =	sadd.s32 $0x4400, s2;
	s5 =	simm.s32 $0xC0;
	v32 =	vld.idx.msk [tilespmem:v32+s3+$0x0], $0xffff;
	v27 =	vadd.f32 v34, v27;
	v34 =	vadd.f32 v25, v34;
	v25 =	vsel vm2, $0x3F800000, v5  }
.LBB2_1:
0x54: {  	v35 =	vmul.f32 $6.931471820e-01, v16;
	v16 =	vsub.f32 v26, v28  }
0x55: {  	p0 =	sne.s32 s5, $0x17D0;
	v11 =	vadd.f32 v2, v11;
	v2 =	vmovc v21;
	vm2 =	vmmov vm0;
	vm0 =	vmmov vm1;
	s6 =	smov.u32 s5;
	s5 =	sadd.s32 $0x30, s5  }
0x56: {  	(erf) = vrcp.f32 v34;
	v34 =	vshrl.u32 v14, $0x17;
	v33 =	vmul.f32 v33, v20  }
0x57: {  	v22 =	vadd.f32 $-1.000000000e+00, v22;
	v26 =	vsub.f32 v19, v17;
	v17 =	vmovc v25;
	v28 =	vadd.s32 $0xFFFFFF82, v34  }
0x58: {  	s4 =	sadd.s32 $0x10, s4;
	v25 =	vadd.f32 $2.000000000e+00, v29;
	v19 =	vcvt.s32.f32 v28;
	v21 =	vpop (erf);
	v28 =	vadd.f32 v33, v35  }
0x59: {  	v3 =	vadd.f32 v4, v3;
	v29 =	vld [tilespmem:s4+$0x0];
	v21 =	vmul.f32 v21, v22;
	v20 =	vpop (erf);
	v22 =	vmul.f32 $6.931471820e-01, v26  }
0x5a: {  	v26 =	vmax.f32 v31, v32;
	v20 =	vmul.f32 v20, v24;
	v24 =	vmul.f32 v25, v18  }
0x5b: {  	v25 =	vmax.f32 v30, v26;
	v26 =	vmul.f32 v28, v8;
	v33 =	vmul.f32 v21, v21;
	v18 =	vmovc v21  }
0x5c: {  	v8 =	vmovc v15;
	v21 =	vsub.f32 v30, v25;
	v28 =	vmul.f32 v20, v20;
	v22 =	vadd.f32 v24, v22  }
0x5d: {  	v15 =	vsub.f32 v31, v25;
	v30 =	vsub.f32 v32, v25;
	v25 =	vmul.f32 $2.857142980e-01, v33  }
0x5e: {  	v21 =	vmul.f32 $1.442695020e+00, v21;
	vm1 =	veq.s32 v29, $0x0;
	v22 =	vmul.f32 v22, v6;
	v6 =	vmovc v14  }
0x5f: {  	v29 =	vmul.f32 $1.442695020e+00, v15;
	v15 =	vmul.f32 $1.442695020e+00, v30;
	v24 =	vpop (erf);
	v25 =	vadd.f32 $4.000000060e-01, v25  }
0x60: {  	(erf) = vpow2.f32 v21;
	v14 =	vmul.f32 v24, v23;
	v21 =	vadd.f32 v26, v22  }
0x61: {  	v22 =	vsel vm2, $0x0, v0;
	v23 =	vmul.f32 $2.857142980e-01, v28;
	(erf) = vpow2.f32 v15  }
0x62: {  	v15 =	vmul.f32 v24, v27;
	v24 =	vand.u32 $0x7FFFFF, v14;
	v21 =	vsub.f32 $0.0e+00, v21  }
0x63: {  	v27 =	vadd.s32 s6, v9;
	(erf) = vpow2.f32 v29;
	v24 =	vor.u32 $0x3F000000, v24  }
0x64: {  	v29 =	vand.u32 $0x7FFFFF, v15;
	v26 =	vadd.f32 v24, v24;
	v21 =	vmul.f32 v21, v1;
	v1 =	vmovc v4;
	v4 =	vmovc v22  }
0x65: {  	v23 =	vadd.f32 $4.000000060e-01, v23;
	vm2 =	vlt.f32 v24, $7.071067690e-01;
	v29 =	vor.u32 $0x3F000000, v29  }
0x66: {  	v22 =	vsel vm2, v26, v24;
	v24 =	vadd.f32 v29, v29;
	v13 =	vadd.f32 v21, v13  }
0x67: {  	vm3 =	vlt.f32 v29, $7.071067690e-01;
	v26 =	vmul.f32 v23, v28;
	v21 =	vadd.f32 $1.000000000e+00, v22  }
0x68: {  	v30 =	vshrl.u32 v15, $0x17;
	v24 =	vsel vm3, v24, v29;
	v29 =	vmul.f32 v15, v4  }
0x69: {  	v31 =	vadd.s32 s6, v10;
	v32 =	vadd.s32 s6, v12;
	v23 =	vpop (erf);
	v34 =	vadd.f32 $1.000000000e+00, v24  }
0x6a: {  	v24 =	vadd.f32 $-1.000000000e+00, v24;
	v35 =	vpop (erf);
	(erf) = vrcp.f32 v21;
	v21 =	vmul.f32 v25, v33  }
.Ltmp0:
0x6b: {  	v25 =	vadd.s32 $0xFFFFFF82, v30;
	(erf) = vrcp.f32 v34;
	v34 =	vadd.f32 $6.666666860e-01, v26;
	(pc) =	sbr.rel @p0 .LBB2_1-.Ltmp0, $4  }
0x6c: {  	v7 =	vadd.f32 v29, v7;
	v26 =	vcvt.s32.f32 v25;
	v36 =	vpop (erf);
	v25 =	vadd.f32 $6.666666860e-01, v21  }
0x6d: {  	v30 =	vld.idx.msk [tilespmem:v27+s3+$0x0], $0xffff;
	v37 =	vadd.f32 v36, v23;
	v27 =	vadd.f32 v35, v36;
	v36 =	vmul.f32 v34, v28  }
0x6e: {  	v21 =	vmul.f32 v14, v4;
	v28 =	vsel vm3, $0x3F800000, v5;
	v31 =	vld.idx.msk [tilespmem:v31+s3+$0x0], $0xffff;
	v29 =	vmul.f32 v25, v33  }
0x6f: {  	v25 =	vsel vm2, $0x3F800000, v5;
	v32 =	vld.idx.msk [tilespmem:v32+s3+$0x0], $0xffff;
	v34 =	vadd.f32 v37, v35;
	v33 =	vadd.f32 $2.000000000e+00, v36  }
0x70: {  	_ =	sdelay $0x3  }
0x71: {  	v9 =	vmax.f32 v31, v32  }
0x72: {  	(erf) = vrcp.f32 v34;
	v9 =	vmax.f32 v30, v9  }
0x73: {  	v10 =	vsub.f32 v30, v9  }
0x74: {  	v12 =	vsub.f32 v32, v9  }
0x75: {  	v9 =	vsub.f32 v31, v9;
	v10 =	vmul.f32 $1.442695020e+00, v10  }
0x76: {  	v12 =	vmul.f32 $1.442695020e+00, v12  }
0x77: {  	v9 =	vmul.f32 $1.442695020e+00, v9;
	(erf) = vpow2.f32 v10  }
0x78: {  	(erf) = vpow2.f32 v12  }
0x79: {  	v52 =	vpop (erf);
	(erf) = vpow2.f32 v9  }
0x7a: {  	v53 =	vpop (erf)  }
0x7b: {  	v54 =	vpop (erf)  }
0x7c: {  	v10 =	vmul.f32 v54, v23  }
0x7d: {  	v9 =	vmul.f32 v54, v27  }
0x7e: {  	v55 =	vand.u32 $0x7FFFFF, v10  }
0x7f: {  	v12 =	vor.u32 $0x3F000000, v55;
	v56 =	vand.u32 $0x7FFFFF, v9  }
0x80: {  	v57 =	vadd.f32 v12, v12;
	v23 =	vor.u32 $0x3F000000, v56;
	v58 =	vpop (erf)  }
0x81: {  	vm3 =	vlt.f32 v12, $7.071067690e-01;
	v59 =	vadd.f32 v23, v23;
	v35 =	vpop (erf)  }
0x82: {  	vm4 =	vlt.f32 v23, $7.071067690e-01;
	v27 =	vsel vm3, v57, v12;
	v60 =	vpop (erf)  }
0x83: {  	v36 =	vadd.f32 $1.000000000e+00, v27;
	v23 =	vsel vm4, v59, v23;
	v61 =	vadd.f32 v60, v58  }
0x84: {  	v37 =	vadd.f32 $1.000000000e+00, v23  }
0x85: {  	(erf) = vrcp.f32 v36;
	v34 =	vadd.f32 v61, v35  }
0x86: {  	(erf) = vrcp.f32 v37  }
0x87: {  	(erf) = vrcp.f32 v34;
	_ =	sdelay $0x2  }
0x88: {  	v22 =	vadd.f32 $-1.000000000e+00, v22;
	v29 =	vadd.f32 $2.000000000e+00, v29  }
0x89: {  	v19 =	vsub.f32 v19, v17;
	v16 =	vmul.f32 $6.931471820e-01, v16;
	v26 =	vsub.f32 v26, v28  }
0x8a: {  	vm0 =	vmmov vm0;
	v20 =	vmul.f32 v33, v20;
	v18 =	vmul.f32 v29, v18  }
0x8b: {  	v2 =	vadd.f32 v2, v11;
	v19 =	vmul.f32 $6.931471820e-01, v19;
	v22 =	vmul.f32 v52, v22  }
0x8c: {  	vm1 =	vmmov vm1;
	v3 =	vadd.f32 v4, v3;
	v16 =	vadd.f32 v20, v16;
	v62 =	vpop (erf)  }
0x8d: {  	v26 =	vmul.f32 $6.931471820e-01, v26;
	v18 =	vadd.f32 v18, v19;
	v43 =	vmul.f32 v22, v22;
	v63 =	vpop (erf)  }
0x8e: {  	v24 =	vmul.f32 v53, v24;
	v8 =	vmul.f32 v16, v8;
	v41 =	vadd.f32 v35, v60;
	v40 =	vpop (erf)  }
0x8f: {  	vm15 =	vmmov vm1;
	v45 =	vmul.f32 $2.857142980e-01, v43;
	v12 =	vmul.f32 v40, v58  }
0x90: {  	v2 =	vadd.f32 v21, v2;
	v6 =	vmul.f32 v18, v6;
	v17 =	vmul.f32 v40, v41  }
0x91: {  	v31 =	vmul.f32 v24, v24;
	v35 =	vadd.f32 $4.000000060e-01, v45;
	v42 =	vand.u32 $0x7FFFFF, v12  }
0x92: {  	v6 =	vadd.f32 v8, v6;
	v33 =	vand.u32 $0x7FFFFF, v17;
	v30 =	vor.u32 $0x3F000000, v42  }
0x93: {  	v50 =	vmul.f32 v35, v43;
	v33 =	vor.u32 $0x3F000000, v33;
	v44 =	vadd.f32 v30, v30  }
0x94: {  	v56 =	vshrl.u32 v14, $0x17;
	vm2 =	vlt.f32 v30, $7.071067690e-01;
	v47 =	vadd.f32 v33, v33  }
0x95: {  	v53 =	vadd.f32 $6.666666860e-01, v50;
	vm14 =	vlt.f32 v33, $7.071067690e-01;
	v30 =	vsel vm2, v44, v30  }
0x96: {  	v20 =	vadd.s32 $0xFFFFFF82, v56;
	v32 =	vsel vm14, v47, v33;
	v39 =	vadd.f32 $1.000000000e+00, v30  }
0x97: {  	v20 =	vcvt.s32.f32 v20;
	v16 =	vmul.f32 v53, v43;
	v49 =	vadd.f32 $1.000000000e+00, v32  }
0x98: {  	v46 =	vmul.f32 $2.857142980e-01, v31;
	v55 =	vadd.f32 $-1.000000000e+00, v23;
	(erf) = vrcp.f32 v39  }
0x99: {  	v20 =	vsub.f32 v20, v25;
	v16 =	vadd.f32 $2.000000000e+00, v16;
	(erf) = vrcp.f32 v49  }
0x9a: {  	v6 =	vsub.f32 $0.0e+00, v6;
	v48 =	vadd.f32 $4.000000060e-01, v46;
	v19 =	vmul.f32 v63, v55  }
0x9b: {  	v57 =	vadd.f32 $-1.000000000e+00, v27;
	v20 =	vmul.f32 $6.931471820e-01, v20;
	v16 =	vmul.f32 v16, v22  }
0x9c: {  	v38 =	vsel vm4, $0x3F800000, v5;
	v34 =	vshrl.u32 v9, $0x17;
	v58 =	vmul.f32 v19, v19  }
0x9d: {  	v29 =	vadd.s32 $0xFFFFFF82, v34;
	v23 =	vmul.f32 v62, v57;
	v16 =	vadd.f32 v16, v20  }
0x9e: {  	v36 =	vcvt.s32.f32 v29;
	v63 =	vmul.f32 $2.857142980e-01, v58;
	v46 =	vshrl.u32 v17, $0x17  }
0x9f: {  	v60 =	vmul.f32 v23, v23;
	v42 =	vmul.f32 v16, v14;
	v22 =	vadd.s32 $0xFFFFFF82, v46  }
0xa0: {  	v8 =	vadd.f32 $4.000000060e-01, v63;
	v22 =	vcvt.s32.f32 v22;
	v33 =	vmul.f32 v48, v31  }
0xa1: {  	v51 =	vsel vm14, $0x3F800000, v5;
	v59 =	vadd.f32 $-1.000000000e+00, v30;
	v61 =	vadd.f32 $-1.000000000e+00, v32;
	v62 =	vpop (erf)  }
0xa2: {  	v8 =	vmul.f32 v8, v58;
	v47 =	vsel vm2, $0x3F800000, v5;
	v52 =	vadd.f32 $6.666666860e-01, v33;
	v32 =	vpop (erf)  }
0xa3: {  	v48 =	vshrl.u32 v10, $0x17;
	v27 =	vmul.f32 v62, v59;
	v28 =	vmul.f32 v32, v61  }
0xa4: {  	v22 =	vsub.f32 v22, v51;
	v33 =	vmul.f32 $2.857142980e-01, v60;
	v54 =	vmul.f32 v52, v31  }
0xa5: {  	v29 =	vadd.s32 $0xFFFFFF82, v48;
	v41 =	vmul.f32 v27, v27;
	v40 =	vmul.f32 v28, v28  }
0xa6: {  	v8 =	vadd.f32 $6.666666860e-01, v8;
	v29 =	vcvt.s32.f32 v29;
	v25 =	vadd.f32 $4.000000060e-01, v33  }
0xa7: {  	v18 =	vadd.f32 $2.000000000e+00, v54;
	v45 =	vmul.f32 $2.857142980e-01, v41;
	v44 =	vmul.f32 $2.857142980e-01, v40  }
0xa8: {  	v39 =	vsel vm3, $0x3F800000, v5;
	v49 =	vshrl.u32 v12, $0x17;
	v37 =	vmul.f32 v25, v60  }
0xa9: {  	v18 =	vmul.f32 v18, v24;
	v24 =	vadd.f32 $4.000000060e-01, v45;
	v20 =	vadd.f32 $4.000000060e-01, v44  }
0xaa: {  	v8 =	vmul.f32 v8, v58;
	v29 =	vsub.f32 v29, v39;
	v30 =	vadd.s32 $0xFFFFFF82, v49  }
0xab: {  	v43 =	vadd.f32 $6.666666860e-01, v37;
	v24 =	vmul.f32 v24, v41;
	v20 =	vmul.f32 v20, v40  }
0xac: {  	v8 =	vadd.f32 $2.000000000e+00, v8;
	v50 =	vcvt.s32.f32 v30;
	v18 =	vadd.f32 v18, v26  }
0xad: {  	v16 =	vmul.f32 v43, v60;
	v24 =	vadd.f32 $6.666666860e-01, v24;
	v20 =	vadd.f32 $6.666666860e-01, v20  }
0xae: {  	v51 =	vmul.f32 $6.931471820e-01, v29;
	v26 =	vsub.f32 v36, v38;
	v15 =	vmul.f32 v18, v15  }
0xaf: {  	v16 =	vadd.f32 $2.000000000e+00, v16;
	v18 =	vmul.f32 v24, v41;
	v20 =	vmul.f32 v20, v40  }
0xb0: {  	v8 =	vmul.f32 v8, v19;
	v5 =	vsub.f32 v50, v47;
	v26 =	vmul.f32 $6.931471820e-01, v26  }
0xb1: {  	v16 =	vmul.f32 v16, v23;
	v18 =	vadd.f32 $2.000000000e+00, v18;
	v20 =	vadd.f32 $2.000000000e+00, v20  }
0xb2: {  	v22 =	vmul.f32 $6.931471820e-01, v22;
	v5 =	vmul.f32 $6.931471820e-01, v5;
	v8 =	vadd.f32 v8, v26  }
0xb3: {  	v16 =	vadd.f32 v16, v51;
	v18 =	vmul.f32 v18, v27;
	v20 =	vmul.f32 v20, v28  }
0xb4: {  	v1 =	vmul.f32 v6, v1;
	v14 =	vadd.f32 v15, v42;
	v8 =	vmul.f32 v8, v9  }
0xb5: {  	v52 =	vmul.f32 v16, v10;
	v5 =	vadd.f32 v18, v5;
	v53 =	vadd.f32 v20, v22  }
0xb6: {  	v1 =	vadd.f32 v1, v13;
	v56 =	vsel vm0, $0x0, v0;
	v54 =	vsub.f32 $0.0e+00, v14  }
0xb7: {  	v8 =	vadd.f32 v8, v52;
	v5 =	vmul.f32 v5, v12;
	v55 =	vmul.f32 v53, v17  }
0xb8: {  	v3 =	vadd.f32 v56, v3;
	v58 =	vmul.f32 v10, v56;
	v59 =	vsel vm15, $0x0, v0  }
0xb9: {  	v6 =	vmul.f32 v54, v4;
	v8 =	vsub.f32 $0.0e+00, v8;
	v5 =	vadd.f32 v55, v5  }
0xba: {  	v2 =	vadd.f32 v58, v2;
	v60 =	vmul.f32 v12, v59;
	v9 =	vmul.f32 v9, v56  }
0xbb: {  	v1 =	vadd.f32 v6, v1;
	v57 =	vmul.f32 v8, v56;
	v5 =	vsub.f32 $0.0e+00, v5  }
0xbc: {  	v62 =	vmul.f32 v17, v59;
	v0 =	vadd.f32 v59, v3;
	v61 =	vadd.f32 v9, v7  }
0xbd: {  	v2 =	vadd.f32 v60, v2;
	v1 =	vadd.f32 v57, v1;
	v5 =	vmul.f32 v5, v59  }
0xbe: {  	[tilespmem:$0x2180] =	vst v0;
	v63 =	vadd.f32 v62, v61  }
0xbf: {  	[tilespmem:$0x2080] =	vst v2;
	v1 =	vadd.f32 v5, v1  }
0xc0: {  	s3 =	sshll.u32 s0, $0x6;
	s30 =	simm.s32 $0x0;
	[tilespmem:$0x2100] =	vst v63  }
0xc1: {  	s4 =	simm.s32 $0x2000;
	s31 =	simm.s32 $0x1;
	s2 =	sadd.s32 s2, s3;
	[tilespmem:$0x2000] =	vst v1  }
0xc2: {  	[hbm4b:s2+s30] =	stream.linear.scatter [tilespmem:s4], [sflag:$0x1], $0x200, $0x38;
	[tilespmem:$0x2200] =	vst v63  }
0xc3: {  	_ =	swait.ge [sflag:s31], $0x200  }
0xc4: {  	[sflag:s31] =	ssyncset.done $0x0  }
0xc5: {  	[sflag:s31] =	ssyncadd.s32 $0xFFFFFE00  }
0xc6: {  	_ =	sfence.sel $0x180000  }
0xc7: {  	[bflag:$0x0] =	sbarrier.arrive $0xFFFF  }
0xc8: {  	p0 =	sne.s32 s0, $0x0;
	_ =	strace $0x90000047  }
0xc9: {  	s0 =	sadd.s32 @!p0 $0x100000, s1;
	[bflag:$0x2] =	sbarrier.arrive $0xFFFF  }
0xca: {  	[sflag:s0] =	ssyncadd.tile.s32 @!p0 $0x1;
	_ =	shalt  }
.Lfunc_end2:
_tile_overlayer_lowered:
.L_overlay_start_2:
0xcb: {  	(tag) =	ssettag $0x2  }
0xcc: {  	s0 =	rddreg [dreg:$0x0];
	s2 =	stileid.u32  }
0xcd: {  	s1 =	rddreg [dreg:$0x1];
	p0 =	sne.s32 s2, $0x0  }
0xce: {  	s3 =	rddreg [dreg:$0x2];
	[bflag:$0x3] =	sbarrier.arrive $0xFFFF;
	s2 =	simm.s32 @!p0 $0x1C01  }
0xcf: {  	[timem:s3], [sflag:s2] =	dma.local @!p0 [hbm:s0], s1  }
0xd0: {  	s0 =	simm.s32 @!p0 $0x1  }
0xd1: {  	_ =	swait.ge @!p0 [sflag:s0], s1  }
0xd2: {  	s1 =	ssub.s32 @!p0 $0x0, s1;
	[sflag:s0] =	ssyncset.done @!p0 $0x0  }
0xd3: {  	[sflag:s0] =	ssyncadd.s32 @!p0 s1  }
0xd4: {  	[bflag:$0x3] =	sbarrier.arrive $0xFFFF  }
0xd5: {  	_ =	shalt  }

</sc_bundles>
